<compile_context>
chip_gen: v7x
topology: tpu7x:2x2x1
jax: 0.10.2.dev20260603
libtpu: 0.0.44.dev20260713+nightly
codegen_flags: <defaults>
</compile_context>

<pallas_src>
import functools

import jax
import jax.numpy as jnp
from jax import lax
from jax.experimental import pallas as pl
from jax.experimental.pallas import tpu as pltpu
from jax.experimental.pallas import tpu_sc as plsc

EMB = 64
VOCAB = 5
PAD_IDX = VOCAB - 1
BATCH = 4096
SEQ = 200

BB = 256


EMB_PAD = 128


def _sc_species_gather(cat_emb_pad, species):
    info = plsc.get_sparse_core_info()
    nc, ns = info.num_cores, info.num_subcores
    nw = nc * ns
    b_per_w = BATCH // nw

    mesh = plsc.VectorSubcoreMesh(core_axis_name="c", subcore_axis_name="s")

    @functools.partial(
        pl.kernel,
        mesh=mesh,
        out_type=jax.ShapeDtypeStruct((BATCH, EMB_PAD), jnp.float32),
        scratch_types=[
            pltpu.VMEM((b_per_w,), jnp.int32),
            pltpu.VMEM((b_per_w, EMB_PAD), jnp.float32),
            pltpu.SemaphoreType.DMA,
        ],
    )
    def gather_kernel(table_hbm, idx_hbm, out_hbm, idx_v, rows_v, sem):
        wid = lax.axis_index("s") * nc + lax.axis_index("c")
        base = wid * b_per_w
        pltpu.sync_copy(idx_hbm.at[pl.ds(base, b_per_w)], idx_v)
        pltpu.async_copy(table_hbm.at[idx_v], rows_v, sem).wait()
        pltpu.sync_copy(rows_v, out_hbm.at[pl.ds(base, b_per_w)])

    return gather_kernel(cat_emb_pad, species)


def _tc_body(sw_ref, spemb_ref, vocab2_ref, total_ref, spout_ref):
    HS = SEQ // 2
    sw = sw_ref[...]
    spe2 = spemb_ref[...]
    vt2 = vocab2_ref[...]
    spout_ref[...] = spe2[:, :EMB]
    swb = jnp.broadcast_to(sw[:, :, None], (BB, HS, 2 * EMB))
    lane = lax.broadcasted_iota(jnp.int32, (BB, HS, 2 * EMB), 2)
    sh = jnp.where(lane < EMB, 0, 3)
    idx2 = (swb >> sh) & 7
    xt = jnp.broadcast_to(vt2[None], (BB, VOCAB, 2 * EMB))
    seq_emb = jnp.take_along_axis(xt, idx2, axis=1, mode="promise_in_bounds")
    total_ref[...] = seq_emb + spe2[:, None, :]


def _tc_fused(seqs, spemb2, vocab2):
    nb = BATCH // BB
    sw = seqs[:, 0::2] + (seqs[:, 1::2] << 3)
    total2, spemb = pl.pallas_call(
        _tc_body,
        grid=(nb,),
        in_specs=[
            pl.BlockSpec((BB, SEQ // 2), lambda i: (i, 0)),
            pl.BlockSpec((BB, 2 * EMB), lambda i: (i, 0)),
            pl.BlockSpec((VOCAB, 2 * EMB), lambda i: (0, 0)),
        ],
        out_specs=[
            pl.BlockSpec((BB, SEQ // 2, 2 * EMB), lambda i: (i, 0, 0)),
            pl.BlockSpec((BB, EMB), lambda i: (i, 0)),
        ],
        out_shape=[
            jax.ShapeDtypeStruct((BATCH, SEQ // 2, 2 * EMB), jnp.float32),
            jax.ShapeDtypeStruct((BATCH, EMB), jnp.float32),
        ],
        compiler_params=pltpu.CompilerParams(
            dimension_semantics=("parallel",),
        ),
    )(sw, spemb2, vocab2)
    return total2.reshape(BATCH, SEQ, EMB), spemb


def kernel(seqs, species, vocab_emb, cat_emb):
    seqs = seqs.astype(jnp.int32)
    species = species.astype(jnp.int32)
    cat_emb2 = jnp.concatenate([cat_emb, cat_emb], axis=1)
    vt = vocab_emb.at[PAD_IDX].set(0.0)
    vocab2 = jnp.concatenate([vt, vt], axis=1)
    spemb2 = _sc_species_gather(cat_emb2, species)
    return _tc_fused(seqs, spemb2, vocab2)

# --- scband reference (transcript-rebuilt; emitter-appended) ---
"""Pipeline reference for scband-input-embedder-4681514352984 (READ-ONLY COPY).

The authoritative reference and input builder live on the scoring server;
editing this copy changes nothing except your own understanding.
"""

import jax, jax.numpy as jnp
import numpy as np

EMB_SIZE = 64
NUM_CATEGORIES = 1000
VOCAB_SIZE = 5
PAD_IDX = VOCAB_SIZE - 1  # masking=False -> padding_idx = vocab_size - 1
BATCH = 4096
SEQ_LEN = 200


def setup_inputs(seed: int = 0) -> dict:
    key = jax.random.key(seed)
    k1, k2, k3, k4 = jax.random.split(key, 4)
    seqs = jax.random.randint(k1, (BATCH, SEQ_LEN), 0, VOCAB_SIZE)
    species = jax.random.randint(k2, (BATCH,), 0, NUM_CATEGORIES)
    vocab_emb = jax.random.normal(k3, (VOCAB_SIZE, EMB_SIZE), dtype=jnp.float32)
    cat_emb = jax.random.normal(k4, (NUM_CATEGORIES, EMB_SIZE), dtype=jnp.float32)
    return {"seqs": seqs, "species": species, "vocab_emb": vocab_emb, "cat_emb": cat_emb}


def reference(seqs, species, vocab_emb, cat_emb):
    # nn.Embedding with padding_idx: that row is held at zero
    vt = vocab_emb.at[PAD_IDX].set(0.0)
    seq_emb = jnp.take(vt, seqs, axis=0)            # [B, L, E]
    species_emb = jnp.take(cat_emb, species, axis=0)  # [B, E]
    total_emb = seq_emb + species_emb[:, None, :]     # [B, L, E]
    return (total_emb, species_emb)

if __name__ == "__main__":
    import jax
    _d = setup_inputs()
    print(jax.jit(kernel)(*tuple(_d.values())))

</pallas_src>

<mosaic_0001>
#map = affine_map<(d0, d1) -> (0, 0)>
#map1 = affine_map<(d0, d1) -> (0)>
module attributes {stable_mosaic.version = 14 : i64} {
  func.func @gather_kernel(%arg0: i32, %arg1: i32, %arg2: memref<1000x128xf32, #tpu.memory_space<hbm>>, %arg3: memref<4096xi32, #tpu.memory_space<hbm>>, %arg4: memref<4096x128xf32, #tpu.memory_space<hbm>>, %arg5: memref<128xi32, #tpu.memory_space<vmem>>, %arg6: memref<128x128xf32, #tpu.memory_space<vmem>>, %arg7: memref<!tpu.dma_semaphore, #tpu.memory_space<semaphore_mem>>) attributes {dimension_semantics = [#tpu.dimension_semantics<core_parallel>, #tpu.dimension_semantics<subcore_parallel>], iteration_bounds = array<i64: 2, 16>, scalar_prefetch = 0 : i64, scratch_operands = 3 : i64, tpu.core_type = #tpu.core_type<sc_vector_subcore>, window_params = [{transform_indices = #map}, {transform_indices = #map1}, {transform_indices = #map}]} {
    %mul3A = arith.constant 2 : i32
    %mul3A_0 = arith.muli %arg1, %mul3A : i32
    %add3A = arith.addi %mul3A_0, %arg0 : i32
    %mul3A_1 = arith.constant 128 : i32
    %mul3A_2 = arith.muli %add3A, %mul3A_1 : i32
    "tpu.region"() ({
      %run_scoped3A = tpu.sem_alloc : memref<!tpu.dma_semaphore, #tpu.memory_space<semaphore_mem>>
      %dma_start3A_7 = tpu.memref_slice %arg3[%mul3A_2] : memref<4096xi32, #tpu.memory_space<hbm>> -> memref<128xi32, #tpu.memory_space<hbm>>
      %dma_start3A_8 = tpu.memref_slice %arg3[%mul3A_2] : memref<4096xi32, #tpu.memory_space<hbm>> -> memref<128xi32, #tpu.memory_space<hbm>>
      tpu.enqueue_dma source(%dma_start3A_8 : memref<128xi32, #tpu.memory_space<hbm>>) target(%arg5 : memref<128xi32, #tpu.memory_space<vmem>>) target_semaphore(%run_scoped3A : memref<!tpu.dma_semaphore, #tpu.memory_space<semaphore_mem>>)
      %dma_wait3A_9 = tpu.memref_slice %arg3[%mul3A_2] : memref<4096xi32, #tpu.memory_space<hbm>> -> memref<128xi32, #tpu.memory_space<hbm>>
      %dma_wait3A_10 = tpu.memref_slice %arg3[%mul3A_2] : memref<4096xi32, #tpu.memory_space<hbm>> -> memref<128xi32, #tpu.memory_space<hbm>>
      tpu.wait_dma2 semaphore(%run_scoped3A : memref<!tpu.dma_semaphore, #tpu.memory_space<semaphore_mem>>) src(%dma_wait3A_10 : memref<128xi32, #tpu.memory_space<hbm>>) dst(%arg5 : memref<128xi32, #tpu.memory_space<vmem>>)
      tpu.yield
    }) : () -> ()
    %dma_start3A = arith.constant 0 : i32
    %dma_start3A_3 = arith.constant 0 : i32
    %dma_start3A_4 = tpu.memref_slice %arg2[%dma_start3A, %dma_start3A_3] : memref<1000x128xf32, #tpu.memory_space<hbm>> -> memref<1000x128xf32, #tpu.memory_space<hbm>>
    tpu.enqueue_indirect_dma source(%dma_start3A_4 : memref<1000x128xf32, #tpu.memory_space<hbm>>) target(%arg6 : memref<128x128xf32, #tpu.memory_space<vmem>>) offsets(%arg5 : memref<128xi32, #tpu.memory_space<vmem>>) semaphore(%arg7 : memref<!tpu.dma_semaphore, #tpu.memory_space<semaphore_mem>>)
    %dma_wait3A = arith.constant 0 : i32
    %dma_wait3A_5 = arith.constant 0 : i32
    %dma_wait3A_6 = tpu.memref_slice %arg2[%dma_wait3A, %dma_wait3A_5] : memref<1000x128xf32, #tpu.memory_space<hbm>> -> memref<1000x128xf32, #tpu.memory_space<hbm>>
    tpu.wait_indirect_dma semaphore(%arg7 : memref<!tpu.dma_semaphore, #tpu.memory_space<semaphore_mem>>) src(%dma_wait3A_6 : memref<1000x128xf32, #tpu.memory_space<hbm>>) dst(%arg6 : memref<128x128xf32, #tpu.memory_space<vmem>>)
    "tpu.region"() ({
      %run_scoped3A = tpu.sem_alloc : memref<!tpu.dma_semaphore, #tpu.memory_space<semaphore_mem>>
      %dma_start3A_7 = arith.constant 0 : i32
      %dma_start3A_8 = tpu.memref_slice %arg4[%mul3A_2, %dma_start3A_7] : memref<4096x128xf32, #tpu.memory_space<hbm>> -> memref<128x128xf32, #tpu.memory_space<hbm>>
      %dma_start3A_9 = arith.constant 0 : i32
      %dma_start3A_10 = tpu.memref_slice %arg4[%mul3A_2, %dma_start3A_9] : memref<4096x128xf32, #tpu.memory_space<hbm>> -> memref<128x128xf32, #tpu.memory_space<hbm>>
      tpu.enqueue_dma source(%arg6 : memref<128x128xf32, #tpu.memory_space<vmem>>) target(%dma_start3A_10 : memref<128x128xf32, #tpu.memory_space<hbm>>) target_semaphore(%run_scoped3A : memref<!tpu.dma_semaphore, #tpu.memory_space<semaphore_mem>>)
      %dma_wait3A_11 = arith.constant 0 : i32
      %dma_wait3A_12 = tpu.memref_slice %arg4[%mul3A_2, %dma_wait3A_11] : memref<4096x128xf32, #tpu.memory_space<hbm>> -> memref<128x128xf32, #tpu.memory_space<hbm>>
      %dma_wait3A_13 = arith.constant 0 : i32
      %dma_wait3A_14 = tpu.memref_slice %arg4[%mul3A_2, %dma_wait3A_13] : memref<4096x128xf32, #tpu.memory_space<hbm>> -> memref<128x128xf32, #tpu.memory_space<hbm>>
      tpu.wait_dma2 semaphore(%run_scoped3A : memref<!tpu.dma_semaphore, #tpu.memory_space<semaphore_mem>>) src(%arg6 : memref<128x128xf32, #tpu.memory_space<vmem>>) dst(%dma_wait3A_14 : memref<128x128xf32, #tpu.memory_space<hbm>>)
      tpu.yield
    }) : () -> ()
    return
  }
}

module attributes {stable_mosaic.version = 14 : i64} {
  func.func @_tc_body(%arg0: i32, %arg1: memref<256x100xi32, #tpu.memory_space<vmem>>, %arg2: memref<256x128xf32, #tpu.memory_space<vmem>>, %arg3: memref<5x128xf32, #tpu.memory_space<vmem>>, %arg4: memref<256x100x128xf32, #tpu.memory_space<vmem>>, %arg5: memref<256x64xf32, #tpu.memory_space<vmem>>) attributes {dimension_semantics = [#tpu.dimension_semantics<parallel>], iteration_bounds = array<i64: 16>, scalar_prefetch = 0 : i64, scratch_operands = 0 : i64, tpu.core_type = #tpu.core_type<tc>, window_params = [{transform_indices = @transform_0, window_bounds = array<i64: 256, 100>}, {transform_indices = @transform_1, window_bounds = array<i64: 256, 128>}, {pipeline_mode = #tpu.pipeline_mode<synchronous>, transform_indices = @transform_2, window_bounds = array<i64: 5, 128>}, {transform_indices = @transform_3, window_bounds = array<i64: 256, 100, 128>}, {transform_indices = @transform_4, window_bounds = array<i64: 256, 64>}]} {
    %get3A = arith.constant 0 : index
    %get3A_0 = arith.constant 0 : index
    %get3A_1 = vector.load %arg1[%get3A, %get3A_0] : memref<256x100xi32, #tpu.memory_space<vmem>>, vector<256x100xi32>
    %get3A_2 = arith.constant 0 : index
    %get3A_3 = arith.constant 0 : index
    %get3A_4 = vector.load %arg2[%get3A_2, %get3A_3] : memref<256x128xf32, #tpu.memory_space<vmem>>, vector<256x128xf32>
    %get3A_5 = arith.constant 0 : index
    %get3A_6 = arith.constant 0 : index
    %get3A_7 = vector.load %arg3[%get3A_5, %get3A_6] : memref<5x128xf32, #tpu.memory_space<vmem>>, vector<5x128xf32>
    %slice3A = vector.extract_strided_slice %get3A_4 {offsets = [0, 0], sizes = [256, 64], strides = [1, 1]} : vector<256x128xf32> to vector<256x64xf32>
    %swap3A = arith.constant 0 : index
    %swap3A_8 = arith.constant 0 : index
    %swap3A_9 = vector.load %arg5[%swap3A, %swap3A_8] : memref<256x64xf32, #tpu.memory_space<vmem>>, vector<256x64xf32>
    tpu.vector_store %arg5[%swap3A, %swap3A_8], %slice3A {strides = array<i32>} : memref<256x64xf32, #tpu.memory_space<vmem>>, vector<256x64xf32>,
    %broadcast_in_dim3A = vector.shape_cast %get3A_1 : vector<256x100xi32> to vector<256x100x1xi32>
    %broadcast_in_dim3A_10 = vector.shape_cast %broadcast_in_dim3A : vector<256x100x1xi32> to vector<256x100x1xi32>
    %broadcast_in_dim3A_11 = vector.broadcast %broadcast_in_dim3A_10 : vector<256x100x1xi32> to vector<256x100x128xi32>
    %iota3A = tpu.iota {dimensions = array<i32: 2>} : vector<256x100x128xi32>
    %lt3A = arith.constant 64 : i32
    %lt3A_12 = vector.broadcast %lt3A : i32 to vector<256x100x128xi32>
    %lt3A_13 = arith.cmpi slt, %iota3A, %lt3A_12 : vector<256x100x128xi32>
    %jit3A = arith.constant 0 : i32
    %jit3A_14 = arith.constant 3 : i32
    %broadcast_in_dim3A_15 = vector.broadcast %jit3A : i32 to vector<256x100x128xi32>
    %broadcast_in_dim3A_16 = vector.broadcast %jit3A_14 : i32 to vector<256x100x128xi32>
    %select_n3A = arith.select %lt3A_13, %broadcast_in_dim3A_15, %broadcast_in_dim3A_16 : vector<256x100x128xi1>, vector<256x100x128xi32>
    %shift_right_arithmetic3A = arith.shrsi %broadcast_in_dim3A_11, %select_n3A : vector<256x100x128xi32>
    %and3A = arith.constant 7 : i32
    %and3A_17 = vector.broadcast %and3A : i32 to vector<256x100x128xi32>
    %and3A_18 = arith.andi %shift_right_arithmetic3A, %and3A_17 : vector<256x100x128xi32>
    %broadcast_in_dim3A_19 = vector.shape_cast %get3A_7 : vector<5x128xf32> to vector<1x5x128xf32>
    %broadcast_in_dim3A_20 = vector.shape_cast %broadcast_in_dim3A_19 : vector<1x5x128xf32> to vector<1x5x128xf32>
    %broadcast_in_dim3A_21 = vector.broadcast %broadcast_in_dim3A_20 : vector<1x5x128xf32> to vector<256x5x128xf32>
    %reshape3A = vector.shape_cast %and3A_18 : vector<256x100x128xi32> to vector<256x100x128x1xi32>
    %gather3A = vector.shape_cast %reshape3A : vector<256x100x128x1xi32> to vector<256x100x128xi32>
    %gather3A_22 = tpu.dynamic_gather %broadcast_in_dim3A_21[%gather3A] in [1] : vector<256x5x128xf32>, vector<256x100x128xi32> -> vector<256x100x128xf32>
    %broadcast_in_dim3A_23 = vector.shape_cast %get3A_4 : vector<256x128xf32> to vector<256x1x128xf32>
    %add3A = vector.broadcast %broadcast_in_dim3A_23 : vector<256x1x128xf32> to vector<256x100x128xf32>
    %add3A_24 = arith.addf %gather3A_22, %add3A : vector<256x100x128xf32>
    %swap3A_25 = arith.constant 0 : index
    %swap3A_26 = arith.constant 0 : index
    %swap3A_27 = arith.constant 0 : index
    %swap3A_28 = vector.load %arg4[%swap3A_25, %swap3A_26, %swap3A_27] : memref<256x100x128xf32, #tpu.memory_space<vmem>>, vector<256x100x128xf32>
    tpu.vector_store %arg4[%swap3A_25, %swap3A_26, %swap3A_27], %add3A_24 {strides = array<i32>} : memref<256x100x128xf32, #tpu.memory_space<vmem>>, vector<256x100x128xf32>,
    return
  }
  func.func @transform_0(%arg0: i32) -> (i32, i32) {
    %c0_i32 = arith.constant 0 : i32
    %c0_i32_0 = arith.constant 0 : i32
    return %arg0, %c0_i32 : i32, i32
  }
  func.func @transform_1(%arg0: i32) -> (i32, i32) {
    %c0_i32 = arith.constant 0 : i32
    %c0_i32_0 = arith.constant 0 : i32
    return %arg0, %c0_i32 : i32, i32
  }
  func.func @transform_2(%arg0: i32) -> (i32, i32) {
    %c0_i32 = arith.constant 0 : i32
    %c0_i32_0 = arith.constant 0 : i32
    %c0_i32_1 = arith.constant 0 : i32
    return %c0_i32, %c0_i32_0 : i32, i32
  }
  func.func @transform_3(%arg0: i32) -> (i32, i32, i32) {
    %c0_i32 = arith.constant 0 : i32
    %c0_i32_0 = arith.constant 0 : i32
    %c0_i32_1 = arith.constant 0 : i32
    return %arg0, %c0_i32, %c0_i32_0 : i32, i32, i32
  }
  func.func @transform_4(%arg0: i32) -> (i32, i32) {
    %c0_i32 = arith.constant 0 : i32
    %c0_i32_0 = arith.constant 0 : i32
    return %arg0, %c0_i32 : i32, i32
  }
}

</mosaic_0001>

<sc_bundles>
// kernel: kernel.4.cloned.1.call-start
scs
__scs_entry_jumppad:
0x0: {  	(pc) =	sbr.rel $0x88, $3  }
0x1: {  	(tag) =	ssettag $0x0;
	lr =	simm.s32 $0x1  }
0x2: {  	[smem:$0x3F9D] =	sst lr;
	_ =	strace $0xD0000000  }
0x3: {  	_ = 	snop  }
0x4: {  	_ = 	snop  }
0x5: {  	_ = 	snop  }
0x6: {  	_ = 	snop  }
0x7: {  	_ = 	snop  }
__scs_overlays_trampoline_lowered:
0x8: {  	[smem:$0x3FAC] =	sst s0  }
0x9: {  	[smem:$0x3FAD] =	sst s1  }
0xa: {  	[smem:$0x3FAE] =	sst s2  }
0xb: {  	[smem:$0x3FAF] =	sst s3  }
0xc: {  	[smem:$0x3FB0] =	sst s4  }
0xd: {  	[smem:$0x3FB1] =	sst s5  }
0xe: {  	[smem:$0x3FB2] =	sst s6  }
0xf: {  	[smem:$0x3FB3] =	sst s7  }
0x10: {  	[smem:$0x3FB4] =	sst s8  }
0x11: {  	[smem:$0x3FB5] =	sst s9;
	s0 =	simm.s32 @!p0 $0x0  }
0x12: {  	s1 =	sld [smem:$0x3F9B];
	s0 =	simm.s32 @p0 $0x1  }
0x13: {  	[smem:$0x3FB6] =	sst s0;
	s0 =	simm.s32 @!p1 $0x0  }
0x14: {  	s2 =	sld [smem:$0x3F9A];
	s0 =	simm.s32 @p1 $0x1  }
0x15: {  	[smem:$0x3FB7] =	sst s0;
	s0 =	simm.s32 @!p2 $0x0  }
0x16: {  	s3 =	sld [smem:$0x3FDB];
	s0 =	simm.s32 @p2 $0x1  }
0x17: {  	s4 =	simm.s32 $0x1BF5;
	[smem:$0x3FB9] =	sst s0  }
0x18: {  	s0 =	sld [smem:$0x3F9C];
	_ =	swait.ge [sflag:s4], $0x0  }
0x19: {  	s7 =	sld [smem:$0x3F9D]  }
0x1a: {  	s8 =	sadd.s32 $0xFFFFE003, lr  }
0x1b: {  	s9 =	sadd.s32 $0xFFFFFEF7, lr;
	s5 =	simm.s32 $0xFFFFFFFF;
	p2 =	slt.u32 s8, $0xFFFFF086  }
0x1c: {  	p1 =	slt.u32 s9, $0xF7A;
	s5 =	simm.s32 @!p2 $0x0  }
0x1d: {  	s5 =	simm.s32 @p1 $0x1;
	p0 =	seq.s32 s7, s2  }
0x1e: {  	s7 =	smul.u32 @!p0 $0xF7A, s2;
	p2 =	seq.s32 @!p0 s5, $0x0  }
0x1f: {  	s9 =	smul.u32 $0xF7A, s1;
	s8 =	simm.s32 @!p0 $0x1BF5;
	p2 =	por !p2, p0  }
0x20: {  	[sflag:s8] =	ssyncset.s32 @!p0 $0xFFFFF086;
	s6 =	sadd.s32 @!p0 s3, s7;
	s7 =	simm.s32 @!p0 $0x108  }
0x21: {  	s3 =	sadd.s32 s3, s9;
	s6 =	sadd.s32 @!p0 $0x88, s6;
	s7 =	simm.s32 @p2 $0x1082  }
0x22: {  	[simem:s7], [sflag:s8] =	dma.local @!p0 [hbm:s6], $0xF7A  }
0x23: {  	s9 =	sor.u32 $0xD0000000, s2;
	s6 =	simm.s32 $0x108;
	_ =	swait.ge @!p0 [sflag:s8], $0x0  }
0x24: {  	s3 =	sadd.s32 $0x88, s3;
	s6 =	simm.s32 @!p1 $0x1082;
	[sflag:s4] =	ssyncset.s32 $0xFFFFF086  }
0x25: {  	[simem:s6], [sflag:s4] =	dma.local [hbm:s3], $0xF7A  }
0x26: {  	[smem:$0x3F9D] =	sst s1;
	(tag) =	ssettag s2;
	_ =	strace s9  }
0x27: {  	s1 =	sld [smem:$0x3FAD]  }
0x28: {  	s2 =	sld [smem:$0x3FAE]  }
0x29: {  	s4 =	sld [smem:$0x3FB0]  }
0x2a: {  	p0 =	seq.s32 s5, $0x0;
	s5 =	sld [smem:$0x3FB1]  }
0x2b: {  	s6 =	sld [smem:$0x3FB2]  }
0x2c: {  	s7 =	sld [smem:$0x3FB3]  }
0x2d: {  	s3 =	simm.s32 $0x108;
	s8 =	sld [smem:$0x3FB4]  }
0x2e: {  	s3 =	simm.s32 @!p0 $0x1082;
	s9 =	sld [smem:$0x3FB5]  }
0x2f: {  	lr =	sadd.s32 s0, s3;
	s0 =	sld [smem:$0x3FAC]  }
0x30: {  	s3 =	sld [smem:$0x3FAF]  }
0x31: {  	[smem:$0x3FB8] =	sst s10  }
0x32: {  	s10 =	sld [smem:$0x3FB6];
	_ =	sdelay $0x3  }
0x33: {  	p0 =	seq.s32 s10, $0x1;
	s10 =	sld [smem:$0x3FB8];
	_ =	sdelay $0x3  }
0x34: {  	[smem:$0x3FB8] =	sst s10  }
0x35: {  	s10 =	sld [smem:$0x3FB7];
	_ =	sdelay $0x3  }
0x36: {  	p1 =	seq.s32 s10, $0x1;
	s10 =	sld [smem:$0x3FB8];
	_ =	sdelay $0x3  }
0x37: {  	[smem:$0x3FB8] =	sst s10  }
0x38: {  	s10 =	sld [smem:$0x3FB9]  }
0x39: {  	_ = 	snop;
	(pc) =	sbr.ind lr, $3  }
0x3a: {  	_ = 	snop  }
0x3b: {  	_ = 	snop  }
0x3c: {  	p2 =	seq.s32 s10, $0x1;
	s10 =	sld [smem:$0x3FB8]  }
0x3d: {  	_ =	shalt  }
0x3e: {  	_ =	shalt  }
0x3f: {  	_ =	shalt  }
0x40: {  	_ =	shalt  }
0x41: {  	_ =	shalt  }
0x42: {  	_ =	shalt  }
0x43: {  	_ =	shalt  }
0x44: {  	_ =	shalt  }
0x45: {  	_ =	shalt  }
0x46: {  	_ =	shalt  }
0x47: {  	_ =	shalt  }
0x48: {  	_ =	shalt  }
0x49: {  	_ =	shalt  }
0x4a: {  	_ =	shalt  }
0x4b: {  	_ =	shalt  }
0x4c: {  	_ =	shalt  }
0x4d: {  	_ =	shalt  }
0x4e: {  	_ =	shalt  }
0x4f: {  	_ =	shalt  }
0x50: {  	_ =	shalt  }
0x51: {  	_ =	shalt  }
0x52: {  	_ =	shalt  }
0x53: {  	_ =	shalt  }
0x54: {  	_ =	shalt  }
0x55: {  	_ =	shalt  }
0x56: {  	_ =	shalt  }
0x57: {  	_ =	shalt  }
0x58: {  	_ =	shalt  }
0x59: {  	_ =	shalt  }
0x5a: {  	_ =	shalt  }
0x5b: {  	_ =	shalt  }
0x5c: {  	_ =	shalt  }
0x5d: {  	_ =	shalt  }
0x5e: {  	_ =	shalt  }
0x5f: {  	_ =	shalt  }
0x60: {  	_ =	shalt  }
0x61: {  	_ =	shalt  }
0x62: {  	_ =	shalt  }
0x63: {  	_ =	shalt  }
0x64: {  	_ =	shalt  }
0x65: {  	_ =	shalt  }
0x66: {  	_ =	shalt  }
0x67: {  	_ =	shalt  }
0x68: {  	_ =	shalt  }
0x69: {  	_ =	shalt  }
0x6a: {  	_ =	shalt  }
0x6b: {  	_ =	shalt  }
0x6c: {  	_ =	shalt  }
0x6d: {  	_ =	shalt  }
0x6e: {  	_ =	shalt  }
0x6f: {  	_ =	shalt  }
0x70: {  	_ =	shalt  }
0x71: {  	_ =	shalt  }
0x72: {  	_ =	shalt  }
0x73: {  	_ =	shalt  }
0x74: {  	_ =	shalt  }
0x75: {  	_ =	shalt  }
0x76: {  	_ =	shalt  }
0x77: {  	_ =	shalt  }
0x78: {  	_ =	shalt  }
0x79: {  	_ =	shalt  }
0x7a: {  	_ =	shalt  }
0x7b: {  	_ =	shalt  }
0x7c: {  	_ =	shalt  }
0x7d: {  	_ =	shalt  }
0x7e: {  	_ =	shalt  }
0x7f: {  	_ =	shalt  }
0x80: {  	_ =	shalt  }
0x81: {  	_ =	shalt  }
0x82: {  	_ =	shalt  }
0x83: {  	_ =	shalt  }
0x84: {  	_ =	shalt  }
0x85: {  	_ =	shalt  }
0x86: {  	_ =	shalt  }
0x87: {  	_ =	shalt  }
.Lfunc_end0:
.L_simem_size_0:
called_computation_lowered:
.L_overlay_start_0:
0x88: {  	s2 =	sld [smem:$0x3FD9]  }
0x89: {  	s3 =	sld [smem:$0x3FFE];
	_ =	sdelay $0x1  }
0x8a: {  	s1 =	srdreg.scid  }
0x8b: {  	s0 =	sand.u32 $0x1, s1  }
0x8c: {  	s15 =	sshll.u32 s0, $0xA;
	s2 =	sadd.s32 s3, s2  }
0x8d: {  	s2 =	sadd.s32 s2, s15  }
0x8e: {  	[smem:$0x3FC4] =	sst s2  }
0x8f: {  	_ = 	snop  }
0x90: {  	s2 =	sld [smem:$0x3FD0];
	_ =	sdelay $0x2  }
0x91: {  	s4 =	simm.s32 $0xA;
	s5 =	simm.s32 $0x10;
	s16 =	sld [smem:$0x3FC8]  }
0x92: {  	[smem:s5], [sflag:s4] =	dma.local [hbm:s2], $0x1  }
0x93: {  	_ =	swait.eq [sflag:s4], $0x1  }
0x94: {  	[sflag:s4] =	ssyncset.done $0x0  }
0x95: {  	s17 =	sld [smem:$0x10];
	[sflag:s4] =	ssyncadd.s32 $0xFFFFFFFF  }
0x96: {  	s18 =	sld [smem:$0x11];
	(tm) =	ssettm $0x1  }
0x97: {  	s19 =	sld [smem:$0x3FFB];
	_ =	sdelay $0x3  }
0x98: {  	_ =	strace s19  }
0x99: {  	s5 =	sld [smem:$0x3FFC];
	_ =	sdelay $0x3  }
0x9a: {  	_ =	strace s5  }
0x9b: {  	s5 =	sld [smem:$0x3FFD];
	_ =	sdelay $0x3  }
0x9c: {  	_ =	strace s5  }
0x9d: {  	_ =	strace $0x8FFFFFFF  }
0x9e: {  	s20 =	sld [smem:$0x3FDB];
	_ =	sdelay $0x1  }
0x9f: {  	s6 =	simm.s32 $_scs_section_size  }
0xa0: {  	s7 =	simm.s32 $_size__tile_overlayer_lowered;
	s8 =	simm.s32 $_tile_overlayer_lowered  }
0xa1: {  	s23 =	simm.s32 $0x1BFF;
	s22 =	sshll.u32 s8, $0x1;
	s5 =	sadd.s32 s6, s20  }
0xa2: {  	s9 =	simm.s32 $0x0;
	s21 =	sshll.u32 s7, $0x1;
	s7 =	sadd.s32 s22, s5  }
0xa3: {  	[timem:s9], [sflag:s23] =	dma.local [hbm:s7], s21  }
0xa4: {  	_ =	swait.ge [sflag:s23], s21  }
0xa5: {  	s6 =	ssub.s32 $0x0, s21;
	[sflag:s23] =	ssyncset.done $0x0  }
0xa6: {  	[sflag:s23] =	ssyncadd.s32 s6;
	_ =	sdelay $0x1  }
0xa7: {  	s24 =	simm.s32 $0x1B8B  }
0xa8: {  	_ =	swait.ge [sflag:s24], $0x1  }
0xa9: {  	[sflag:s24] =	ssyncset.done $0x0  }
0xaa: {  	s25 =	simm.s32 $0x1B8E;
	[sflag:s24] =	ssyncadd.s32 $0xFFFFFFFF  }
0xab: {  	s26 =	simm.s32 $execute0_lowered;
	[smem:$0x3FD2] =	sst s25  }
0xac: {  	s6 =	sshll.u32 s26, $0x1;
	_ =	strace $0x80000046;
	[dreg:$0x1] =	wrdreg $0xFFFFFFFF  }
0xad: {  	s28 =	simm.s32 $_size_execute0_lowered;
	s5 =	sadd.s32 s5, s6;
	[dreg:$0x0] =	wrdreg $0x0  }
0xae: {  	s6 =	sshll.u32 s28, $0x1;
	[dreg:$0x2] =	wrdreg s5  }
0xaf: {  	[dreg:$0x3] =	wrdreg s6  }
0xb0: {  	[dreg:$0x4] =	wrdreg $0xC0  }
0xb1: {  	_ =	task [dreg:s9], $0x5FFFF  }
0xb2: {  	[dreg:$0x1] =	wrdreg $0xFFFFFFFF  }
0xb3: {  	[dreg:$0x0] =	wrdreg $0x60  }
0xb4: {  	[dreg:$0x2] =	wrdreg s18  }
0xb5: {  	[dreg:$0x3] =	wrdreg s16  }
0xb6: {  	[dreg:$0x4] =	wrdreg s17  }
0xb7: {  	[dreg:$0x5] =	wrdreg $0x9  }
0xb8: {  	_ =	task.clear_ibuf [dreg:s9], $0x6FFFF;
	_ =	strace $0x90000046  }
0xb9: {  	s29 =	simm.s32 $0x9;
	_ =	strace $0x80000048  }
0xba: {  	_ =	swait.ge [sflag:s29], $0x1  }
0xbb: {  	[sflag:s29] =	ssyncadd.s32 $0xFFFFFFFF  }
0xbc: {  	_ =	strace $0x90000048  }
0xbd: {  	_ =	sfence  }
0xbe: {  	s30 =	sld [smem:$0x0];
	_ =	sdelay $0x2  }
0xbf: {  	s31 =	sshll.u32 s1, $0xD;
	s1 =	sshrl.u32 s1, $0x2  }
0xc0: {  	s3 =	sand.u32 $0x4000, s31;
	s1 =	sadd.s32 s1, s30  }
0xc1: {  	s0 =	sor.u32 s3, s0;
	s1 =	sshll.u32 s1, $0x11  }
0xc2: {  	s0 =	sor.u32 s1, s0  }
0xc3: {  	s0 =	sadd.s32 $0x8F2B, s0  }
0xc4: {  	[sflag:s0] =	ssyncadd.remote.s32 $0x1  }
0xc5: {  	_ =	sfence.sel $0xFFFF  }
0xc6: {  	[dreg:$0x0] =	wrdreg $0xFFFFFFFF;
	(pc) =	sbr.abs _section_cstart, $3  }
0xc7: {  	[dreg:$0x1] =	wrdreg $0xFFFFFFFF  }
0xc8: {  	_ =	task.clear_ibuf [dreg:s9], $0x2FFFF;
	_ =	strace $0x9FFFFFFF  }
0xc9: {  	(tm) =	ssettm $0x7FFFFFFF  }
tec
execute0_lowered:
.L_overlay_start_1:
0x0: {  	(tag) =	ssettag $0x1  }
0x1: {  	s1 =	rddreg [dreg:$0x0]  }
0x2: {  	s2 =	srdreg.scid;
	s4 =	rddreg [dreg:$0x1]  }
0x3: {  	s0 =	stileid.u32;
	s8 =	rddreg [dreg:$0x2];
	s6 =	sand.u32 $0x1, s2  }
0x4: {  	s3 =	simm.s32 $0x0;
	s5 =	sshll.u32 s0, $0x8;
	s7 =	sshll.u32 s6, $0x7  }
0x5: {  	[smem:$0x7FF] =	sst s3;
	s9 =	sor.u32 s7, s5  }
0x6: {  	s2 =	rddreg [dreg:$0x3];
	_ =	strace $0x80000047;
	s5 =	sshrl.u32 s9, $0x3  }
0x7: {  	s10 =	ssub.s32 $0x2, s6;
	s5 =	sadd.s32 s4, s5;
	s4 =	simm.s32 $0x2  }
0x8: {  	[tilespmem:s3], [sflag:$0x2] =	stream.linear.gather [hbm4b:s5+s3], $0x80, $0x38;
	[tilespmem:$0x4080] =	vst v63  }
0x9: {  	s11 =	sshrl.u32 s10, $0x1;
	_ =	swait.ge [sflag:s4], $0x80  }
0xa: {  	s6 =	simm.s32 $0x80;
	s10 =	ssub.s32 s10, s11;
	[sflag:s4] =	ssyncset.done $0x0  }
0xb: {  	s7 =	simm.s32 $0x1;
	s31 =	smax.u32 s10, $0x1;
	[sflag:s4] =	ssyncadd.s32 $0xFFFFFF80  }
0xc: {  	[tilespmem:s6], [sflag:$0x1] =	stream.indirect.gather [hbm4b:s1+s6], $0x80, s3, s6, $0xb8;
	[tilespmem:$0x4080] =	vst v63  }
0xd: {  	p0 =	sne.s32 s31, $0x1;
	_ =	swait.ge [sflag:s7], $0x4000  }
.Ltmp0:
0xe: {  	s9 =	sshll.u32 s9, $0x4;
	[sflag:s7] =	ssyncset.done $0x0;
	(pc) =	sbr.rel @!p0 .LBB2_2-.Ltmp0, $4  }
0xf: {  	s8 =	sadd.s32 s8, s9;
	[sflag:s7] =	ssyncadd.s32 $0xFFFFC000  }
0x10: {  	[hbm4b:s8+s3] =	stream.linear.scatter [tilespmem:s6], [sflag:$0x2], $0x4000, $0x38;
	[tilespmem:$0x4080] =	vst v63  }
0x11: {  	_ =	swait.ge [sflag:s4], $0x4000  }
0x12: {  	s9 =	sadd.s32 $0xFFFFFFFF, s31;
	[sflag:s4] =	ssyncset.done $0x0  }
.LBB2_1:
0x13: {  	p0 =	sne.s32 s9, $0x1;
	s9 =	sadd.s32 $0xFFFFFFFF, s9;
	[sflag:s4] =	ssyncadd.s32 $0xFFFFC000  }
0x14: {  	[tilespmem:s3], [sflag:$0x2] =	stream.linear.gather [hbm4b:s5+s3], $0x80, $0x38;
	[tilespmem:$0x4080] =	vst v63  }
0x15: {  	_ =	swait.ge [sflag:s4], $0x80  }
0x16: {  	[sflag:s4] =	ssyncset.done $0x0  }
0x17: {  	[sflag:s4] =	ssyncadd.s32 $0xFFFFFF80  }
0x18: {  	[tilespmem:s6], [sflag:$0x1] =	stream.indirect.gather [hbm4b:s1+s6], $0x80, s3, s6, $0xb8;
	[tilespmem:$0x4080] =	vst v63  }
0x19: {  	_ =	swait.ge [sflag:s7], $0x4000  }
.Ltmp1:
0x1a: {  	[sflag:s7] =	ssyncset.done $0x0;
	(pc) =	sbr.rel @p0 .LBB2_1-.Ltmp1, $4  }
0x1b: {  	[sflag:s7] =	ssyncadd.s32 $0xFFFFC000  }
0x1c: {  	[hbm4b:s8+s3] =	stream.linear.scatter [tilespmem:s6], [sflag:$0x2], $0x4000, $0x38;
	[tilespmem:$0x4080] =	vst v63  }
0x1d: {  	_ =	swait.ge [sflag:s4], $0x4000  }
0x1e: {  	[sflag:s4] =	ssyncset.done $0x0  }
.LBB2_2:
0x1f: {  	[sflag:s4] =	ssyncadd.s32 $0xFFFFC000  }
0x20: {  	_ =	sfence.sel $0x180000  }
0x21: {  	[bflag:$0x0] =	sbarrier.arrive $0xFFFF  }
0x22: {  	p0 =	sne.s32 s0, $0x0;
	_ =	strace $0x90000047  }
0x23: {  	s0 =	sadd.s32 @!p0 $0x100000, s2;
	[bflag:$0x2] =	sbarrier.arrive $0xFFFF  }
0x24: {  	[sflag:s0] =	ssyncadd.tile.s32 @!p0 $0x1;
	_ =	shalt  }
.Lfunc_end2:
_tile_overlayer_lowered:
.L_overlay_start_2:
0x25: {  	(tag) =	ssettag $0x2  }
0x26: {  	s0 =	rddreg [dreg:$0x0];
	s2 =	stileid.u32  }
0x27: {  	s1 =	rddreg [dreg:$0x1];
	p0 =	sne.s32 s2, $0x0  }
0x28: {  	s3 =	rddreg [dreg:$0x2];
	[bflag:$0x3] =	sbarrier.arrive $0xFFFF;
	s2 =	simm.s32 @!p0 $0x1C02  }
0x29: {  	[timem:s3], [sflag:s2] =	dma.local @!p0 [hbm:s0], s1  }
0x2a: {  	s0 =	simm.s32 @!p0 $0x2  }
0x2b: {  	_ =	swait.ge @!p0 [sflag:s0], s1  }
0x2c: {  	s1 =	ssub.s32 @!p0 $0x0, s1;
	[sflag:s0] =	ssyncset.done @!p0 $0x0  }
0x2d: {  	[sflag:s0] =	ssyncadd.s32 @!p0 s1  }
0x2e: {  	[bflag:$0x3] =	sbarrier.arrive $0xFFFF  }
0x2f: {  	_ =	shalt  }

</sc_bundles>
